<compile_context>
chip_gen: v7x
topology: tpu7x:2x2x1
jax: 0.10.2.dev20260603
libtpu: 0.0.44.dev20260713+nightly
codegen_flags: <defaults>
</compile_context>

<pallas_src>
import functools

import jax
import jax.numpy as jnp
from jax import lax
from jax.experimental import pallas as pl
from jax.experimental.pallas import tpu as pltpu
from jax.experimental.pallas import tpu_sc as plsc

N_NODES = 10000
N_EDGES = 320000
IN_DIM = 128
OUT_DIM = 128

NC = 2
NS = 16
CHUNK = 128
N0 = 92
N1 = 65
PAD_EDGES = NS * (N0 + N1) * CHUNK
ROWS_PER_TILE = 640
ACC_ROWS = NS * ROWS_PER_TILE


def _mm_body(x_ref, w_ref, o_ref):
    o_ref[...] = jnp.dot(x_ref[...], w_ref[...], preferred_element_type=jnp.float32)


def _matmul(x, w):
    grid = 10
    blk = N_NODES // grid
    return pl.pallas_call(
        _mm_body,
        grid=(grid,),
        in_specs=[
            pl.BlockSpec((blk, IN_DIM), lambda i: (i, 0)),
            pl.BlockSpec((IN_DIM, OUT_DIM), lambda i: (0, 0)),
        ],
        out_specs=pl.BlockSpec((blk, OUT_DIM), lambda i: (i, 0)),
        out_shape=jax.ShapeDtypeStruct((N_NODES, OUT_DIM), jnp.float32),
    )(x, w)


_sc_mesh = plsc.VectorSubcoreMesh(
    core_axis_name="c", subcore_axis_name="s", num_cores=NC, num_subcores=NS
)


@functools.partial(
    pl.kernel,
    out_type=jax.ShapeDtypeStruct((NC * ACC_ROWS, OUT_DIM), jnp.float32),
    mesh=_sc_mesh,
    scratch_types=[
        pltpu.VMEM((max(N0, N1), 2, CHUNK), jnp.int32),
        pltpu.VMEM((CHUNK, OUT_DIM), jnp.float32),
        pltpu.VMEM_SHARED((ACC_ROWS, OUT_DIM), jnp.float32),
        pltpu.SemaphoreType.DMA,
    ],
)
def _sc_aggregate(epk_hbm, h_hbm, z_hbm, out_hbm, idx_v, rows_a, acc, sem_a):
    c = lax.axis_index("c")
    s = lax.axis_index("s")
    wid = c * NS + s

    pltpu.sync_copy(z_hbm, rows_a.at[pl.ds(0, CHUNK)])
    for k in range(ROWS_PER_TILE // CHUNK):
        pltpu.sync_copy(
            rows_a.at[pl.ds(0, CHUNK)],
            acc.at[pl.ds(s * ROWS_PER_TILE + k * CHUNK, CHUNK)],
        )

    def body(g, carry):
        pltpu.async_copy(h_hbm.at[idx_v.at[g, 0]], rows_a, sem_a).wait()
        pltpu.sync_copy(rows_a, acc.at[idx_v.at[g, 1]], add=True)
        return carry

    pltpu.sync_copy(epk_hbm.at[wid], idx_v)
    plsc.subcore_barrier()

    @pl.when(c == 0)
    def _():
        lax.fori_loop(0, N0, body, 0)

    @pl.when(c == 1)
    def _():
        lax.fori_loop(0, N1, body, 0)

    plsc.subcore_barrier()

    pltpu.sync_copy(
        acc.at[pl.ds(s * ROWS_PER_TILE, ROWS_PER_TILE)],
        out_hbm.at[pl.ds(c * ACC_ROWS + s * ROWS_PER_TILE, ROWS_PER_TILE)],
    )


def _combine_body(p_ref, o_ref):
    o_ref[...] = jnp.maximum(p_ref[0] + p_ref[1], 0.0)


def _combine(partials):
    grid = 10
    blk = N_NODES // grid
    return pl.pallas_call(
        _combine_body,
        grid=(grid,),
        in_specs=[pl.BlockSpec((NC, blk, OUT_DIM), lambda i: (0, i, 0))],
        out_specs=pl.BlockSpec((blk, OUT_DIM), lambda i: (i, 0)),
        out_shape=jax.ShapeDtypeStruct((N_NODES, OUT_DIM), jnp.float32),
    )(partials)


def kernel(x, edge_index, W):
    ei = edge_index.astype(jnp.int32)
    dst = ei[0]
    src = ei[1]
    pad = PAD_EDGES - N_EDGES
    src_p = jnp.concatenate([src, jnp.zeros((pad,), jnp.int32)])
    dump_rows = N_NODES + jnp.arange(pad, dtype=jnp.int32) % (ACC_ROWS - N_NODES)
    dst_p = jnp.concatenate([dst, dump_rows])
    n0e = NS * N0 * CHUNK
    def pack(a):
        m = max(N0, N1)
        a0 = a[:n0e].reshape(NS, N0, CHUNK)
        a0 = jnp.pad(a0, ((0, 0), (0, m - N0), (0, 0)))
        a1 = a[n0e:].reshape(NS, N1, CHUNK)
        a1 = jnp.pad(a1, ((0, 0), (0, m - N1), (0, 0)))
        return jnp.concatenate([a0, a1], axis=0)
    epk = jnp.stack([pack(src_p), pack(dst_p)], axis=2)
    zeros_rows = jnp.zeros((CHUNK, OUT_DIM), jnp.float32)

    h = _matmul(x, W)
    partials = _sc_aggregate(epk, h, zeros_rows)
    p2 = partials.reshape(NC, ACC_ROWS, OUT_DIM)[:, :N_NODES, :]
    return _combine(p2)

# --- scband reference (transcript-rebuilt; emitter-appended) ---
"""Pipeline reference for scband-graph-convolution-2-24644522344645 (READ-ONLY COPY).

The authoritative reference and input builder live on the scoring server;
editing this copy changes nothing except your own understanding.
"""

import jax, jax.numpy as jnp
import numpy as np

N_NODES = 10000
N_EDGES = 320000
IN_DIM = 128
OUT_DIM = 128


def setup_inputs(seed: int = 0) -> dict:
    key = jax.random.key(seed)
    k_x, k_e, k_w = jax.random.split(key, 3)
    x = jax.random.normal(k_x, (N_NODES, IN_DIM), dtype=jnp.float32)
    edge_index = jax.random.randint(k_e, (2, N_EDGES), 0, N_NODES, dtype=jnp.int64)
    init_range = np.sqrt(6.0 / (IN_DIM + OUT_DIM))
    W = jax.random.uniform(k_w, (IN_DIM, OUT_DIM), minval=-init_range, maxval=init_range, dtype=jnp.float32)
    return {"x": x, "edge_index": edge_index, "W": W}


def reference(x, edge_index, W):
    # x = tf.matmul(x, weights)
    h = jnp.matmul(x, W)
    # x = tf.sparse.sparse_dense_matmul(adj, h)
    # adj is an unweighted sparse matrix given by edge_index:
    #   row (dst) = edge_index[0], col (src) = edge_index[1], value = 1.0
    # out[i] = sum_{j : adj[i,j]=1} h[j]
    dst = edge_index[0]
    src = edge_index[1]
    msgs = jnp.take(h, src, axis=0)
    agg = jax.ops.segment_sum(msgs, dst, num_segments=N_NODES)
    # outputs = act(x) with act = relu
    return jax.nn.relu(agg)

if __name__ == "__main__":
    import jax
    _d = setup_inputs()
    print(jax.jit(kernel)(*tuple(_d.values())))

</pallas_src>

<mosaic_0001>
#map = affine_map<(d0, d1) -> (0, 0, 0, 0)>
#map1 = affine_map<(d0, d1) -> (0, 0)>
module attributes {stable_mosaic.version = 14 : i64} {
  func.func @_sc_aggregate(%arg0: i32, %arg1: i32, %arg2: memref<32x92x2x128xi32, #tpu.memory_space<hbm>>, %arg3: memref<10000x128xf32, #tpu.memory_space<hbm>>, %arg4: memref<128x128xf32, #tpu.memory_space<hbm>>, %arg5: memref<20480x128xf32, #tpu.memory_space<hbm>>, %arg6: memref<92x2x128xi32, #tpu.memory_space<vmem>>, %arg7: memref<128x128xf32, #tpu.memory_space<vmem>>, %arg8: memref<10240x128xf32, #tpu.memory_space<vmem_shared>>, %arg9: memref<!tpu.dma_semaphore, #tpu.memory_space<semaphore_mem>>) attributes {dimension_semantics = [#tpu.dimension_semantics<core_parallel>, #tpu.dimension_semantics<subcore_parallel>], iteration_bounds = array<i64: 2, 16>, scalar_prefetch = 0 : i64, scratch_operands = 4 : i64, tpu.core_type = #tpu.core_type<sc_vector_subcore>, window_params = [{transform_indices = #map}, {transform_indices = #map1}, {transform_indices = #map1}, {transform_indices = #map1}]} {
    %mul3A = arith.constant 16 : i32
    %mul3A_0 = arith.muli %arg0, %mul3A : i32
    %add3A = arith.addi %mul3A_0, %arg1 : i32
    "tpu.region"() ({
      %run_scoped3A = tpu.sem_alloc : memref<!tpu.dma_semaphore, #tpu.memory_space<semaphore_mem>>
      %dma_start3A = arith.constant 0 : i32
      %dma_start3A_36 = arith.constant 0 : i32
      %dma_start3A_37 = tpu.memref_slice %arg7[%dma_start3A, %dma_start3A_36] : memref<128x128xf32, #tpu.memory_space<vmem>> -> memref<128x128xf32, #tpu.memory_space<vmem>>
      %dma_start3A_38 = arith.constant 0 : i32
      %dma_start3A_39 = arith.constant 0 : i32
      %dma_start3A_40 = tpu.memref_slice %arg7[%dma_start3A_38, %dma_start3A_39] : memref<128x128xf32, #tpu.memory_space<vmem>> -> memref<128x128xf32, #tpu.memory_space<vmem>>
      tpu.enqueue_dma source(%arg4 : memref<128x128xf32, #tpu.memory_space<hbm>>) target(%dma_start3A_40 : memref<128x128xf32, #tpu.memory_space<vmem>>) target_semaphore(%run_scoped3A : memref<!tpu.dma_semaphore, #tpu.memory_space<semaphore_mem>>)
      %dma_wait3A = arith.constant 0 : i32
      %dma_wait3A_41 = arith.constant 0 : i32
      %dma_wait3A_42 = tpu.memref_slice %arg7[%dma_wait3A, %dma_wait3A_41] : memref<128x128xf32, #tpu.memory_space<vmem>> -> memref<128x128xf32, #tpu.memory_space<vmem>>
      %dma_wait3A_43 = arith.constant 0 : i32
      %dma_wait3A_44 = arith.constant 0 : i32
      %dma_wait3A_45 = tpu.memref_slice %arg7[%dma_wait3A_43, %dma_wait3A_44] : memref<128x128xf32, #tpu.memory_space<vmem>> -> memref<128x128xf32, #tpu.memory_space<vmem>>
      tpu.wait_dma2 semaphore(%run_scoped3A : memref<!tpu.dma_semaphore, #tpu.memory_space<semaphore_mem>>) src(%arg4 : memref<128x128xf32, #tpu.memory_space<hbm>>) dst(%dma_wait3A_45 : memref<128x128xf32, #tpu.memory_space<vmem>>)
      tpu.yield
    }) : () -> ()
    %mul3A_1 = arith.constant 640 : i32
    %mul3A_2 = arith.muli %arg1, %mul3A_1 : i32
    %add3A_3 = arith.constant 0 : i32
    %add3A_4 = arith.addi %mul3A_2, %add3A_3 : i32
    "tpu.region"() ({
      %run_scoped3A = tpu.sem_alloc : memref<!tpu.dma_semaphore, #tpu.memory_space<semaphore_mem>>
      %dma_start3A = arith.constant 0 : i32
      %dma_start3A_36 = arith.constant 0 : i32
      %dma_start3A_37 = tpu.memref_slice %arg7[%dma_start3A, %dma_start3A_36] : memref<128x128xf32, #tpu.memory_space<vmem>> -> memref<128x128xf32, #tpu.memory_space<vmem>>
      %dma_start3A_38 = arith.constant 0 : i32
      %dma_start3A_39 = tpu.memref_slice %arg8[%add3A_4, %dma_start3A_38] : memref<10240x128xf32, #tpu.memory_space<vmem_shared>> -> memref<128x128xf32, #tpu.memory_space<vmem_shared>>
      %dma_start3A_40 = arith.constant 0 : i32
      %dma_start3A_41 = tpu.memref_slice %arg8[%add3A_4, %dma_start3A_40] : memref<10240x128xf32, #tpu.memory_space<vmem_shared>> -> memref<128x128xf32, #tpu.memory_space<vmem_shared>>
      %dma_start3A_42 = arith.constant 0 : i32
      %dma_start3A_43 = arith.constant 0 : i32
      %dma_start3A_44 = tpu.memref_slice %arg7[%dma_start3A_42, %dma_start3A_43] : memref<128x128xf32, #tpu.memory_space<vmem>> -> memref<128x128xf32, #tpu.memory_space<vmem>>
      tpu.enqueue_dma source(%dma_start3A_44 : memref<128x128xf32, #tpu.memory_space<vmem>>) target(%dma_start3A_41 : memref<128x128xf32, #tpu.memory_space<vmem_shared>>) target_semaphore(%run_scoped3A : memref<!tpu.dma_semaphore, #tpu.memory_space<semaphore_mem>>)
      %dma_wait3A = arith.constant 0 : i32
      %dma_wait3A_45 = arith.constant 0 : i32
      %dma_wait3A_46 = tpu.memref_slice %arg7[%dma_wait3A, %dma_wait3A_45] : memref<128x128xf32, #tpu.memory_space<vmem>> -> memref<128x128xf32, #tpu.memory_space<vmem>>
      %dma_wait3A_47 = arith.constant 0 : i32
      %dma_wait3A_48 = tpu.memref_slice %arg8[%add3A_4, %dma_wait3A_47] : memref<10240x128xf32, #tpu.memory_space<vmem_shared>> -> memref<128x128xf32, #tpu.memory_space<vmem_shared>>
      %dma_wait3A_49 = arith.constant 0 : i32
      %dma_wait3A_50 = tpu.memref_slice %arg8[%add3A_4, %dma_wait3A_49] : memref<10240x128xf32, #tpu.memory_space<vmem_shared>> -> memref<128x128xf32, #tpu.memory_space<vmem_shared>>
      %dma_wait3A_51 = arith.constant 0 : i32
      %dma_wait3A_52 = arith.constant 0 : i32
      %dma_wait3A_53 = tpu.memref_slice %arg7[%dma_wait3A_51, %dma_wait3A_52] : memref<128x128xf32, #tpu.memory_space<vmem>> -> memref<128x128xf32, #tpu.memory_space<vmem>>
      tpu.wait_dma2 semaphore(%run_scoped3A : memref<!tpu.dma_semaphore, #tpu.memory_space<semaphore_mem>>) src(%dma_wait3A_53 : memref<128x128xf32, #tpu.memory_space<vmem>>) dst(%dma_wait3A_50 : memref<128x128xf32, #tpu.memory_space<vmem_shared>>)
      tpu.yield
    }) : () -> ()
    %mul3A_5 = arith.constant 640 : i32
    %mul3A_6 = arith.muli %arg1, %mul3A_5 : i32
    %add3A_7 = arith.constant 128 : i32
    %add3A_8 = arith.addi %mul3A_6, %add3A_7 : i32
    "tpu.region"() ({
      %run_scoped3A = tpu.sem_alloc : memref<!tpu.dma_semaphore, #tpu.memory_space<semaphore_mem>>
      %dma_start3A = arith.constant 0 : i32
      %dma_start3A_36 = arith.constant 0 : i32
      %dma_start3A_37 = tpu.memref_slice %arg7[%dma_start3A, %dma_start3A_36] : memref<128x128xf32, #tpu.memory_space<vmem>> -> memref<128x128xf32, #tpu.memory_space<vmem>>
      %dma_start3A_38 = arith.constant 0 : i32
      %dma_start3A_39 = tpu.memref_slice %arg8[%add3A_8, %dma_start3A_38] : memref<10240x128xf32, #tpu.memory_space<vmem_shared>> -> memref<128x128xf32, #tpu.memory_space<vmem_shared>>
      %dma_start3A_40 = arith.constant 0 : i32
      %dma_start3A_41 = tpu.memref_slice %arg8[%add3A_8, %dma_start3A_40] : memref<10240x128xf32, #tpu.memory_space<vmem_shared>> -> memref<128x128xf32, #tpu.memory_space<vmem_shared>>
      %dma_start3A_42 = arith.constant 0 : i32
      %dma_start3A_43 = arith.constant 0 : i32
      %dma_start3A_44 = tpu.memref_slice %arg7[%dma_start3A_42, %dma_start3A_43] : memref<128x128xf32, #tpu.memory_space<vmem>> -> memref<128x128xf32, #tpu.memory_space<vmem>>
      tpu.enqueue_dma source(%dma_start3A_44 : memref<128x128xf32, #tpu.memory_space<vmem>>) target(%dma_start3A_41 : memref<128x128xf32, #tpu.memory_space<vmem_shared>>) target_semaphore(%run_scoped3A : memref<!tpu.dma_semaphore, #tpu.memory_space<semaphore_mem>>)
      %dma_wait3A = arith.constant 0 : i32
      %dma_wait3A_45 = arith.constant 0 : i32
      %dma_wait3A_46 = tpu.memref_slice %arg7[%dma_wait3A, %dma_wait3A_45] : memref<128x128xf32, #tpu.memory_space<vmem>> -> memref<128x128xf32, #tpu.memory_space<vmem>>
      %dma_wait3A_47 = arith.constant 0 : i32
      %dma_wait3A_48 = tpu.memref_slice %arg8[%add3A_8, %dma_wait3A_47] : memref<10240x128xf32, #tpu.memory_space<vmem_shared>> -> memref<128x128xf32, #tpu.memory_space<vmem_shared>>
      %dma_wait3A_49 = arith.constant 0 : i32
      %dma_wait3A_50 = tpu.memref_slice %arg8[%add3A_8, %dma_wait3A_49] : memref<10240x128xf32, #tpu.memory_space<vmem_shared>> -> memref<128x128xf32, #tpu.memory_space<vmem_shared>>
      %dma_wait3A_51 = arith.constant 0 : i32
      %dma_wait3A_52 = arith.constant 0 : i32
      %dma_wait3A_53 = tpu.memref_slice %arg7[%dma_wait3A_51, %dma_wait3A_52] : memref<128x128xf32, #tpu.memory_space<vmem>> -> memref<128x128xf32, #tpu.memory_space<vmem>>
      tpu.wait_dma2 semaphore(%run_scoped3A : memref<!tpu.dma_semaphore, #tpu.memory_space<semaphore_mem>>) src(%dma_wait3A_53 : memref<128x128xf32, #tpu.memory_space<vmem>>) dst(%dma_wait3A_50 : memref<128x128xf32, #tpu.memory_space<vmem_shared>>)
      tpu.yield
    }) : () -> ()
    %mul3A_9 = arith.constant 640 : i32
    %mul3A_10 = arith.muli %arg1, %mul3A_9 : i32
    %add3A_11 = arith.constant 256 : i32
    %add3A_12 = arith.addi %mul3A_10, %add3A_11 : i32
    "tpu.region"() ({
      %run_scoped3A = tpu.sem_alloc : memref<!tpu.dma_semaphore, #tpu.memory_space<semaphore_mem>>
      %dma_start3A = arith.constant 0 : i32
      %dma_start3A_36 = arith.constant 0 : i32
      %dma_start3A_37 = tpu.memref_slice %arg7[%dma_start3A, %dma_start3A_36] : memref<128x128xf32, #tpu.memory_space<vmem>> -> memref<128x128xf32, #tpu.memory_space<vmem>>
      %dma_start3A_38 = arith.constant 0 : i32
      %dma_start3A_39 = tpu.memref_slice %arg8[%add3A_12, %dma_start3A_38] : memref<10240x128xf32, #tpu.memory_space<vmem_shared>> -> memref<128x128xf32, #tpu.memory_space<vmem_shared>>
      %dma_start3A_40 = arith.constant 0 : i32
      %dma_start3A_41 = tpu.memref_slice %arg8[%add3A_12, %dma_start3A_40] : memref<10240x128xf32, #tpu.memory_space<vmem_shared>> -> memref<128x128xf32, #tpu.memory_space<vmem_shared>>
      %dma_start3A_42 = arith.constant 0 : i32
      %dma_start3A_43 = arith.constant 0 : i32
      %dma_start3A_44 = tpu.memref_slice %arg7[%dma_start3A_42, %dma_start3A_43] : memref<128x128xf32, #tpu.memory_space<vmem>> -> memref<128x128xf32, #tpu.memory_space<vmem>>
      tpu.enqueue_dma source(%dma_start3A_44 : memref<128x128xf32, #tpu.memory_space<vmem>>) target(%dma_start3A_41 : memref<128x128xf32, #tpu.memory_space<vmem_shared>>) target_semaphore(%run_scoped3A : memref<!tpu.dma_semaphore, #tpu.memory_space<semaphore_mem>>)
      %dma_wait3A = arith.constant 0 : i32
      %dma_wait3A_45 = arith.constant 0 : i32
      %dma_wait3A_46 = tpu.memref_slice %arg7[%dma_wait3A, %dma_wait3A_45] : memref<128x128xf32, #tpu.memory_space<vmem>> -> memref<128x128xf32, #tpu.memory_space<vmem>>
      %dma_wait3A_47 = arith.constant 0 : i32
      %dma_wait3A_48 = tpu.memref_slice %arg8[%add3A_12, %dma_wait3A_47] : memref<10240x128xf32, #tpu.memory_space<vmem_shared>> -> memref<128x128xf32, #tpu.memory_space<vmem_shared>>
      %dma_wait3A_49 = arith.constant 0 : i32
      %dma_wait3A_50 = tpu.memref_slice %arg8[%add3A_12, %dma_wait3A_49] : memref<10240x128xf32, #tpu.memory_space<vmem_shared>> -> memref<128x128xf32, #tpu.memory_space<vmem_shared>>
      %dma_wait3A_51 = arith.constant 0 : i32
      %dma_wait3A_52 = arith.constant 0 : i32
      %dma_wait3A_53 = tpu.memref_slice %arg7[%dma_wait3A_51, %dma_wait3A_52] : memref<128x128xf32, #tpu.memory_space<vmem>> -> memref<128x128xf32, #tpu.memory_space<vmem>>
      tpu.wait_dma2 semaphore(%run_scoped3A : memref<!tpu.dma_semaphore, #tpu.memory_space<semaphore_mem>>) src(%dma_wait3A_53 : memref<128x128xf32, #tpu.memory_space<vmem>>) dst(%dma_wait3A_50 : memref<128x128xf32, #tpu.memory_space<vmem_shared>>)
      tpu.yield
    }) : () -> ()
    %mul3A_13 = arith.constant 640 : i32
    %mul3A_14 = arith.muli %arg1, %mul3A_13 : i32
    %add3A_15 = arith.constant 384 : i32
    %add3A_16 = arith.addi %mul3A_14, %add3A_15 : i32
    "tpu.region"() ({
      %run_scoped3A = tpu.sem_alloc : memref<!tpu.dma_semaphore, #tpu.memory_space<semaphore_mem>>
      %dma_start3A = arith.constant 0 : i32
      %dma_start3A_36 = arith.constant 0 : i32
      %dma_start3A_37 = tpu.memref_slice %arg7[%dma_start3A, %dma_start3A_36] : memref<128x128xf32, #tpu.memory_space<vmem>> -> memref<128x128xf32, #tpu.memory_space<vmem>>
      %dma_start3A_38 = arith.constant 0 : i32
      %dma_start3A_39 = tpu.memref_slice %arg8[%add3A_16, %dma_start3A_38] : memref<10240x128xf32, #tpu.memory_space<vmem_shared>> -> memref<128x128xf32, #tpu.memory_space<vmem_shared>>
      %dma_start3A_40 = arith.constant 0 : i32
      %dma_start3A_41 = tpu.memref_slice %arg8[%add3A_16, %dma_start3A_40] : memref<10240x128xf32, #tpu.memory_space<vmem_shared>> -> memref<128x128xf32, #tpu.memory_space<vmem_shared>>
      %dma_start3A_42 = arith.constant 0 : i32
      %dma_start3A_43 = arith.constant 0 : i32
      %dma_start3A_44 = tpu.memref_slice %arg7[%dma_start3A_42, %dma_start3A_43] : memref<128x128xf32, #tpu.memory_space<vmem>> -> memref<128x128xf32, #tpu.memory_space<vmem>>
      tpu.enqueue_dma source(%dma_start3A_44 : memref<128x128xf32, #tpu.memory_space<vmem>>) target(%dma_start3A_41 : memref<128x128xf32, #tpu.memory_space<vmem_shared>>) target_semaphore(%run_scoped3A : memref<!tpu.dma_semaphore, #tpu.memory_space<semaphore_mem>>)
      %dma_wait3A = arith.constant 0 : i32
      %dma_wait3A_45 = arith.constant 0 : i32
      %dma_wait3A_46 = tpu.memref_slice %arg7[%dma_wait3A, %dma_wait3A_45] : memref<128x128xf32, #tpu.memory_space<vmem>> -> memref<128x128xf32, #tpu.memory_space<vmem>>
      %dma_wait3A_47 = arith.constant 0 : i32
      %dma_wait3A_48 = tpu.memref_slice %arg8[%add3A_16, %dma_wait3A_47] : memref<10240x128xf32, #tpu.memory_space<vmem_shared>> -> memref<128x128xf32, #tpu.memory_space<vmem_shared>>
      %dma_wait3A_49 = arith.constant 0 : i32
      %dma_wait3A_50 = tpu.memref_slice %arg8[%add3A_16, %dma_wait3A_49] : memref<10240x128xf32, #tpu.memory_space<vmem_shared>> -> memref<128x128xf32, #tpu.memory_space<vmem_shared>>
      %dma_wait3A_51 = arith.constant 0 : i32
      %dma_wait3A_52 = arith.constant 0 : i32
      %dma_wait3A_53 = tpu.memref_slice %arg7[%dma_wait3A_51, %dma_wait3A_52] : memref<128x128xf32, #tpu.memory_space<vmem>> -> memref<128x128xf32, #tpu.memory_space<vmem>>
      tpu.wait_dma2 semaphore(%run_scoped3A : memref<!tpu.dma_semaphore, #tpu.memory_space<semaphore_mem>>) src(%dma_wait3A_53 : memref<128x128xf32, #tpu.memory_space<vmem>>) dst(%dma_wait3A_50 : memref<128x128xf32, #tpu.memory_space<vmem_shared>>)
      tpu.yield
    }) : () -> ()
    %mul3A_17 = arith.constant 640 : i32
    %mul3A_18 = arith.muli %arg1, %mul3A_17 : i32
    %add3A_19 = arith.constant 512 : i32
    %add3A_20 = arith.addi %mul3A_18, %add3A_19 : i32
    "tpu.region"() ({
      %run_scoped3A = tpu.sem_alloc : memref<!tpu.dma_semaphore, #tpu.memory_space<semaphore_mem>>
      %dma_start3A = arith.constant 0 : i32
      %dma_start3A_36 = arith.constant 0 : i32
      %dma_start3A_37 = tpu.memref_slice %arg7[%dma_start3A, %dma_start3A_36] : memref<128x128xf32, #tpu.memory_space<vmem>> -> memref<128x128xf32, #tpu.memory_space<vmem>>
      %dma_start3A_38 = arith.constant 0 : i32
      %dma_start3A_39 = tpu.memref_slice %arg8[%add3A_20, %dma_start3A_38] : memref<10240x128xf32, #tpu.memory_space<vmem_shared>> -> memref<128x128xf32, #tpu.memory_space<vmem_shared>>
      %dma_start3A_40 = arith.constant 0 : i32
      %dma_start3A_41 = tpu.memref_slice %arg8[%add3A_20, %dma_start3A_40] : memref<10240x128xf32, #tpu.memory_space<vmem_shared>> -> memref<128x128xf32, #tpu.memory_space<vmem_shared>>
      %dma_start3A_42 = arith.constant 0 : i32
      %dma_start3A_43 = arith.constant 0 : i32
      %dma_start3A_44 = tpu.memref_slice %arg7[%dma_start3A_42, %dma_start3A_43] : memref<128x128xf32, #tpu.memory_space<vmem>> -> memref<128x128xf32, #tpu.memory_space<vmem>>
      tpu.enqueue_dma source(%dma_start3A_44 : memref<128x128xf32, #tpu.memory_space<vmem>>) target(%dma_start3A_41 : memref<128x128xf32, #tpu.memory_space<vmem_shared>>) target_semaphore(%run_scoped3A : memref<!tpu.dma_semaphore, #tpu.memory_space<semaphore_mem>>)
      %dma_wait3A = arith.constant 0 : i32
      %dma_wait3A_45 = arith.constant 0 : i32
      %dma_wait3A_46 = tpu.memref_slice %arg7[%dma_wait3A, %dma_wait3A_45] : memref<128x128xf32, #tpu.memory_space<vmem>> -> memref<128x128xf32, #tpu.memory_space<vmem>>
      %dma_wait3A_47 = arith.constant 0 : i32
      %dma_wait3A_48 = tpu.memref_slice %arg8[%add3A_20, %dma_wait3A_47] : memref<10240x128xf32, #tpu.memory_space<vmem_shared>> -> memref<128x128xf32, #tpu.memory_space<vmem_shared>>
      %dma_wait3A_49 = arith.constant 0 : i32
      %dma_wait3A_50 = tpu.memref_slice %arg8[%add3A_20, %dma_wait3A_49] : memref<10240x128xf32, #tpu.memory_space<vmem_shared>> -> memref<128x128xf32, #tpu.memory_space<vmem_shared>>
      %dma_wait3A_51 = arith.constant 0 : i32
      %dma_wait3A_52 = arith.constant 0 : i32
      %dma_wait3A_53 = tpu.memref_slice %arg7[%dma_wait3A_51, %dma_wait3A_52] : memref<128x128xf32, #tpu.memory_space<vmem>> -> memref<128x128xf32, #tpu.memory_space<vmem>>
      tpu.wait_dma2 semaphore(%run_scoped3A : memref<!tpu.dma_semaphore, #tpu.memory_space<semaphore_mem>>) src(%dma_wait3A_53 : memref<128x128xf32, #tpu.memory_space<vmem>>) dst(%dma_wait3A_50 : memref<128x128xf32, #tpu.memory_space<vmem_shared>>)
      tpu.yield
    }) : () -> ()
    "tpu.region"() ({
      %run_scoped3A = tpu.sem_alloc : memref<!tpu.dma_semaphore, #tpu.memory_space<semaphore_mem>>
      %dma_start3A = arith.constant 0 : i32
      %dma_start3A_36 = arith.constant 0 : i32
      %dma_start3A_37 = arith.constant 0 : i32
      %dma_start3A_38 = tpu.memref_slice %arg2[%add3A, %dma_start3A, %dma_start3A_36, %dma_start3A_37] : memref<32x92x2x128xi32, #tpu.memory_space<hbm>> -> memref<1x92x2x128xi32, #tpu.memory_space<hbm>>
      %dma_start3A_39 = tpu.memref_squeeze %dma_start3A_38 : memref<1x92x2x128xi32, #tpu.memory_space<hbm>> -> memref<92x2x128xi32, #tpu.memory_space<hbm>>
      %dma_start3A_40 = arith.constant 0 : i32
      %dma_start3A_41 = arith.constant 0 : i32
      %dma_start3A_42 = arith.constant 0 : i32
      %dma_start3A_43 = tpu.memref_slice %arg2[%add3A, %dma_start3A_40, %dma_start3A_41, %dma_start3A_42] : memref<32x92x2x128xi32, #tpu.memory_space<hbm>> -> memref<1x92x2x128xi32, #tpu.memory_space<hbm>>
      %dma_start3A_44 = tpu.memref_squeeze %dma_start3A_43 : memref<1x92x2x128xi32, #tpu.memory_space<hbm>> -> memref<92x2x128xi32, #tpu.memory_space<hbm>>
      tpu.enqueue_dma source(%dma_start3A_44 : memref<92x2x128xi32, #tpu.memory_space<hbm>>) target(%arg6 : memref<92x2x128xi32, #tpu.memory_space<vmem>>) target_semaphore(%run_scoped3A : memref<!tpu.dma_semaphore, #tpu.memory_space<semaphore_mem>>)
      %dma_wait3A = arith.constant 0 : i32
      %dma_wait3A_45 = arith.constant 0 : i32
      %dma_wait3A_46 = arith.constant 0 : i32
      %dma_wait3A_47 = tpu.memref_slice %arg2[%add3A, %dma_wait3A, %dma_wait3A_45, %dma_wait3A_46] : memref<32x92x2x128xi32, #tpu.memory_space<hbm>> -> memref<1x92x2x128xi32, #tpu.memory_space<hbm>>
      %dma_wait3A_48 = tpu.memref_squeeze %dma_wait3A_47 : memref<1x92x2x128xi32, #tpu.memory_space<hbm>> -> memref<92x2x128xi32, #tpu.memory_space<hbm>>
      %dma_wait3A_49 = arith.constant 0 : i32
      %dma_wait3A_50 = arith.constant 0 : i32
      %dma_wait3A_51 = arith.constant 0 : i32
      %dma_wait3A_52 = tpu.memref_slice %arg2[%add3A, %dma_wait3A_49, %dma_wait3A_50, %dma_wait3A_51] : memref<32x92x2x128xi32, #tpu.memory_space<hbm>> -> memref<1x92x2x128xi32, #tpu.memory_space<hbm>>
      %dma_wait3A_53 = tpu.memref_squeeze %dma_wait3A_52 : memref<1x92x2x128xi32, #tpu.memory_space<hbm>> -> memref<92x2x128xi32, #tpu.memory_space<hbm>>
      tpu.wait_dma2 semaphore(%run_scoped3A : memref<!tpu.dma_semaphore, #tpu.memory_space<semaphore_mem>>) src(%dma_wait3A_53 : memref<92x2x128xi32, #tpu.memory_space<hbm>>) dst(%arg6 : memref<92x2x128xi32, #tpu.memory_space<vmem>>)
      tpu.yield
    }) : () -> ()
    %barrier3A = arith.constant 0 : index
    tpu.barrier barrier_id(%barrier3A)
    %eq3A = arith.constant 0 : i32
    %eq3A_21 = arith.cmpi eq, %arg0, %eq3A : i32
    %convert_element_type3A = arith.extui %eq3A_21 : i1 to i32
    %cond3A = arith.constant 0 : i32
    %cond3A_22 = arith.cmpi ne, %convert_element_type3A, %cond3A : i32
    scf.if %cond3A_22 {
      %scan3A = arith.constant 0 : i32
      %scan3A_36 = arith.constant 0 : i32
      %scan3A_37 = arith.constant 92 : i32
      %scan3A_38 = arith.addi %scan3A_36, %scan3A_37 : i32
      %scan3A_39 = arith.constant 1 : i32
      scf.for %scan3A_41 = %scan3A_36 to %scan3A_38 step %scan3A_39  : i32 {
        %dma_start3A = arith.constant 0 : i32
        %dma_start3A_42 = arith.constant 0 : i32
        %dma_start3A_43 = tpu.memref_slice %arg6[%scan3A_41, %dma_start3A, %dma_start3A_42] : memref<92x2x128xi32, #tpu.memory_space<vmem>> -> memref<1x1x128xi32, #tpu.memory_space<vmem>>
        %dma_start3A_44 = tpu.memref_squeeze %dma_start3A_43 : memref<1x1x128xi32, #tpu.memory_space<vmem>> -> memref<128xi32, #tpu.memory_space<vmem>>
        %dma_start3A_45 = arith.constant 0 : i32
        %dma_start3A_46 = arith.constant 0 : i32
        %dma_start3A_47 = tpu.memref_slice %arg3[%dma_start3A_45, %dma_start3A_46] : memref<10000x128xf32, #tpu.memory_space<hbm>> -> memref<10000x128xf32, #tpu.memory_space<hbm>>
        tpu.enqueue_indirect_dma source(%dma_start3A_47 : memref<10000x128xf32, #tpu.memory_space<hbm>>) target(%arg7 : memref<128x128xf32, #tpu.memory_space<vmem>>) offsets(%dma_start3A_44 : memref<128xi32, #tpu.memory_space<vmem>>) semaphore(%arg9 : memref<!tpu.dma_semaphore, #tpu.memory_space<semaphore_mem>>)
        %dma_wait3A = arith.constant 0 : i32
        %dma_wait3A_48 = arith.constant 0 : i32
        %dma_wait3A_49 = tpu.memref_slice %arg6[%scan3A_41, %dma_wait3A, %dma_wait3A_48] : memref<92x2x128xi32, #tpu.memory_space<vmem>> -> memref<1x1x128xi32, #tpu.memory_space<vmem>>
        %dma_wait3A_50 = tpu.memref_squeeze %dma_wait3A_49 : memref<1x1x128xi32, #tpu.memory_space<vmem>> -> memref<128xi32, #tpu.memory_space<vmem>>
        %dma_wait3A_51 = arith.constant 0 : i32
        %dma_wait3A_52 = arith.constant 0 : i32
        %dma_wait3A_53 = tpu.memref_slice %arg3[%dma_wait3A_51, %dma_wait3A_52] : memref<10000x128xf32, #tpu.memory_space<hbm>> -> memref<10000x128xf32, #tpu.memory_space<hbm>>
        tpu.wait_indirect_dma semaphore(%arg9 : memref<!tpu.dma_semaphore, #tpu.memory_space<semaphore_mem>>) src(%dma_wait3A_53 : memref<10000x128xf32, #tpu.memory_space<hbm>>) dst(%arg7 : memref<128x128xf32, #tpu.memory_space<vmem>>)
        %run_scoped3A = arith.constant 1 : i32
        "tpu.region"() ({
          %run_scoped3A_54 = tpu.sem_alloc : memref<!tpu.dma_semaphore, #tpu.memory_space<semaphore_mem>>
          %dma_start3A_55 = arith.constant 0 : i32
          %dma_start3A_56 = tpu.memref_slice %arg6[%scan3A_41, %run_scoped3A, %dma_start3A_55] : memref<92x2x128xi32, #tpu.memory_space<vmem>> -> memref<1x1x128xi32, #tpu.memory_space<vmem>>
          %dma_start3A_57 = tpu.memref_squeeze %dma_start3A_56 : memref<1x1x128xi32, #tpu.memory_space<vmem>> -> memref<128xi32, #tpu.memory_space<vmem>>
          %dma_start3A_58 = arith.constant 0 : i32
          %dma_start3A_59 = arith.constant 0 : i32
          %dma_start3A_60 = tpu.memref_slice %arg8[%dma_start3A_58, %dma_start3A_59] : memref<10240x128xf32, #tpu.memory_space<vmem_shared>> -> memref<10240x128xf32, #tpu.memory_space<vmem_shared>>
          tpu.enqueue_indirect_dma source(%arg7 : memref<128x128xf32, #tpu.memory_space<vmem>>) target(%dma_start3A_60 : memref<10240x128xf32, #tpu.memory_space<vmem_shared>>) offsets(%dma_start3A_57 : memref<128xi32, #tpu.memory_space<vmem>>) semaphore(%run_scoped3A_54 : memref<!tpu.dma_semaphore, #tpu.memory_space<semaphore_mem>>) {add = true}
          %dma_wait3A_61 = arith.constant 0 : i32
          %dma_wait3A_62 = tpu.memref_slice %arg6[%scan3A_41, %run_scoped3A, %dma_wait3A_61] : memref<92x2x128xi32, #tpu.memory_space<vmem>> -> memref<1x1x128xi32, #tpu.memory_space<vmem>>
          %dma_wait3A_63 = tpu.memref_squeeze %dma_wait3A_62 : memref<1x1x128xi32, #tpu.memory_space<vmem>> -> memref<128xi32, #tpu.memory_space<vmem>>
          %dma_wait3A_64 = arith.constant 0 : i32
          %dma_wait3A_65 = arith.constant 0 : i32
          %dma_wait3A_66 = tpu.memref_slice %arg8[%dma_wait3A_64, %dma_wait3A_65] : memref<10240x128xf32, #tpu.memory_space<vmem_shared>> -> memref<10240x128xf32, #tpu.memory_space<vmem_shared>>
          tpu.wait_indirect_dma semaphore(%run_scoped3A_54 : memref<!tpu.dma_semaphore, #tpu.memory_space<semaphore_mem>>) src(%arg7 : memref<128x128xf32, #tpu.memory_space<vmem>>) dst(%dma_wait3A_66 : memref<10240x128xf32, #tpu.memory_space<vmem_shared>>)
          tpu.yield
        }) : () -> ()
      }
      %scan3A_40 = arith.constant 92 : i32
    } else {
    }
    %eq3A_23 = arith.constant 1 : i32
    %eq3A_24 = arith.cmpi eq, %arg0, %eq3A_23 : i32
    %convert_element_type3A_25 = arith.extui %eq3A_24 : i1 to i32
    %cond3A_26 = arith.constant 0 : i32
    %cond3A_27 = arith.cmpi ne, %convert_element_type3A_25, %cond3A_26 : i32
    scf.if %cond3A_27 {
      %scan3A = arith.constant 0 : i32
      %scan3A_36 = arith.constant 0 : i32
      %scan3A_37 = arith.constant 65 : i32
      %scan3A_38 = arith.addi %scan3A_36, %scan3A_37 : i32
      %scan3A_39 = arith.constant 1 : i32
      scf.for %scan3A_41 = %scan3A_36 to %scan3A_38 step %scan3A_39  : i32 {
        %dma_start3A = arith.constant 0 : i32
        %dma_start3A_42 = arith.constant 0 : i32
        %dma_start3A_43 = tpu.memref_slice %arg6[%scan3A_41, %dma_start3A, %dma_start3A_42] : memref<92x2x128xi32, #tpu.memory_space<vmem>> -> memref<1x1x128xi32, #tpu.memory_space<vmem>>
        %dma_start3A_44 = tpu.memref_squeeze %dma_start3A_43 : memref<1x1x128xi32, #tpu.memory_space<vmem>> -> memref<128xi32, #tpu.memory_space<vmem>>
        %dma_start3A_45 = arith.constant 0 : i32
        %dma_start3A_46 = arith.constant 0 : i32
        %dma_start3A_47 = tpu.memref_slice %arg3[%dma_start3A_45, %dma_start3A_46] : memref<10000x128xf32, #tpu.memory_space<hbm>> -> memref<10000x128xf32, #tpu.memory_space<hbm>>
        tpu.enqueue_indirect_dma source(%dma_start3A_47 : memref<10000x128xf32, #tpu.memory_space<hbm>>) target(%arg7 : memref<128x128xf32, #tpu.memory_space<vmem>>) offsets(%dma_start3A_44 : memref<128xi32, #tpu.memory_space<vmem>>) semaphore(%arg9 : memref<!tpu.dma_semaphore, #tpu.memory_space<semaphore_mem>>)
        %dma_wait3A = arith.constant 0 : i32
        %dma_wait3A_48 = arith.constant 0 : i32
        %dma_wait3A_49 = tpu.memref_slice %arg6[%scan3A_41, %dma_wait3A, %dma_wait3A_48] : memref<92x2x128xi32, #tpu.memory_space<vmem>> -> memref<1x1x128xi32, #tpu.memory_space<vmem>>
        %dma_wait3A_50 = tpu.memref_squeeze %dma_wait3A_49 : memref<1x1x128xi32, #tpu.memory_space<vmem>> -> memref<128xi32, #tpu.memory_space<vmem>>
        %dma_wait3A_51 = arith.constant 0 : i32
        %dma_wait3A_52 = arith.constant 0 : i32
        %dma_wait3A_53 = tpu.memref_slice %arg3[%dma_wait3A_51, %dma_wait3A_52] : memref<10000x128xf32, #tpu.memory_space<hbm>> -> memref<10000x128xf32, #tpu.memory_space<hbm>>
        tpu.wait_indirect_dma semaphore(%arg9 : memref<!tpu.dma_semaphore, #tpu.memory_space<semaphore_mem>>) src(%dma_wait3A_53 : memref<10000x128xf32, #tpu.memory_space<hbm>>) dst(%arg7 : memref<128x128xf32, #tpu.memory_space<vmem>>)
        %run_scoped3A = arith.constant 1 : i32
        "tpu.region"() ({
          %run_scoped3A_54 = tpu.sem_alloc : memref<!tpu.dma_semaphore, #tpu.memory_space<semaphore_mem>>
          %dma_start3A_55 = arith.constant 0 : i32
          %dma_start3A_56 = tpu.memref_slice %arg6[%scan3A_41, %run_scoped3A, %dma_start3A_55] : memref<92x2x128xi32, #tpu.memory_space<vmem>> -> memref<1x1x128xi32, #tpu.memory_space<vmem>>
          %dma_start3A_57 = tpu.memref_squeeze %dma_start3A_56 : memref<1x1x128xi32, #tpu.memory_space<vmem>> -> memref<128xi32, #tpu.memory_space<vmem>>
          %dma_start3A_58 = arith.constant 0 : i32
          %dma_start3A_59 = arith.constant 0 : i32
          %dma_start3A_60 = tpu.memref_slice %arg8[%dma_start3A_58, %dma_start3A_59] : memref<10240x128xf32, #tpu.memory_space<vmem_shared>> -> memref<10240x128xf32, #tpu.memory_space<vmem_shared>>
          tpu.enqueue_indirect_dma source(%arg7 : memref<128x128xf32, #tpu.memory_space<vmem>>) target(%dma_start3A_60 : memref<10240x128xf32, #tpu.memory_space<vmem_shared>>) offsets(%dma_start3A_57 : memref<128xi32, #tpu.memory_space<vmem>>) semaphore(%run_scoped3A_54 : memref<!tpu.dma_semaphore, #tpu.memory_space<semaphore_mem>>) {add = true}
          %dma_wait3A_61 = arith.constant 0 : i32
          %dma_wait3A_62 = tpu.memref_slice %arg6[%scan3A_41, %run_scoped3A, %dma_wait3A_61] : memref<92x2x128xi32, #tpu.memory_space<vmem>> -> memref<1x1x128xi32, #tpu.memory_space<vmem>>
          %dma_wait3A_63 = tpu.memref_squeeze %dma_wait3A_62 : memref<1x1x128xi32, #tpu.memory_space<vmem>> -> memref<128xi32, #tpu.memory_space<vmem>>
          %dma_wait3A_64 = arith.constant 0 : i32
          %dma_wait3A_65 = arith.constant 0 : i32
          %dma_wait3A_66 = tpu.memref_slice %arg8[%dma_wait3A_64, %dma_wait3A_65] : memref<10240x128xf32, #tpu.memory_space<vmem_shared>> -> memref<10240x128xf32, #tpu.memory_space<vmem_shared>>
          tpu.wait_indirect_dma semaphore(%run_scoped3A_54 : memref<!tpu.dma_semaphore, #tpu.memory_space<semaphore_mem>>) src(%arg7 : memref<128x128xf32, #tpu.memory_space<vmem>>) dst(%dma_wait3A_66 : memref<10240x128xf32, #tpu.memory_space<vmem_shared>>)
          tpu.yield
        }) : () -> ()
      }
      %scan3A_40 = arith.constant 65 : i32
    } else {
    }
    %barrier3A_28 = arith.constant 0 : index
    tpu.barrier barrier_id(%barrier3A_28)
    %mul3A_29 = arith.constant 640 : i32
    %mul3A_30 = arith.muli %arg1, %mul3A_29 : i32
    %mul3A_31 = arith.constant 10240 : i32
    %mul3A_32 = arith.muli %arg0, %mul3A_31 : i32
    %mul3A_33 = arith.constant 640 : i32
    %mul3A_34 = arith.muli %arg1, %mul3A_33 : i32
    %add3A_35 = arith.addi %mul3A_32, %mul3A_34 : i32
    "tpu.region"() ({
      %run_scoped3A = tpu.sem_alloc : memref<!tpu.dma_semaphore, #tpu.memory_space<semaphore_mem>>
      %dma_start3A = arith.constant 0 : i32
      %dma_start3A_36 = tpu.memref_slice %arg5[%add3A_35, %dma_start3A] : memref<20480x128xf32, #tpu.memory_space<hbm>> -> memref<640x128xf32, #tpu.memory_space<hbm>>
      %dma_start3A_37 = arith.constant 0 : i32
      %dma_start3A_38 = tpu.memref_slice %arg8[%mul3A_30, %dma_start3A_37] : memref<10240x128xf32, #tpu.memory_space<vmem_shared>> -> memref<640x128xf32, #tpu.memory_space<vmem_shared>>
      tpu.enqueue_dma source(%dma_start3A_38 : memref<640x128xf32, #tpu.memory_space<vmem_shared>>) target(%dma_start3A_36 : memref<640x128xf32, #tpu.memory_space<hbm>>) target_semaphore(%run_scoped3A : memref<!tpu.dma_semaphore, #tpu.memory_space<semaphore_mem>>)
      %dma_wait3A = arith.constant 0 : i32
      %dma_wait3A_39 = tpu.memref_slice %arg5[%add3A_35, %dma_wait3A] : memref<20480x128xf32, #tpu.memory_space<hbm>> -> memref<640x128xf32, #tpu.memory_space<hbm>>
      %dma_wait3A_40 = arith.constant 0 : i32
      %dma_wait3A_41 = tpu.memref_slice %arg8[%mul3A_30, %dma_wait3A_40] : memref<10240x128xf32, #tpu.memory_space<vmem_shared>> -> memref<640x128xf32, #tpu.memory_space<vmem_shared>>
      tpu.wait_dma2 semaphore(%run_scoped3A : memref<!tpu.dma_semaphore, #tpu.memory_space<semaphore_mem>>) src(%dma_wait3A_41 : memref<640x128xf32, #tpu.memory_space<vmem_shared>>) dst(%dma_wait3A_39 : memref<640x128xf32, #tpu.memory_space<hbm>>)
      tpu.yield
    }) : () -> ()
    return
  }
}

module attributes {stable_mosaic.version = 14 : i64} {
  func.func @_mm_body(%arg0: i32, %arg1: memref<1000x128xf32, #tpu.memory_space<vmem>>, %arg2: memref<128x128xf32, #tpu.memory_space<vmem>>, %arg3: memref<1000x128xf32, #tpu.memory_space<vmem>>) attributes {dimension_semantics = [#tpu.dimension_semantics<arbitrary>], iteration_bounds = array<i64: 10>, scalar_prefetch = 0 : i64, scratch_operands = 0 : i64, tpu.core_type = #tpu.core_type<tc>, window_params = [{transform_indices = @transform_0, window_bounds = array<i64: 1000, 128>}, {pipeline_mode = #tpu.pipeline_mode<synchronous>, transform_indices = @transform_1, window_bounds = array<i64: 128, 128>}, {transform_indices = @transform_2, window_bounds = array<i64: 1000, 128>}]} {
    %get3A = arith.constant 0 : index
    %get3A_0 = arith.constant 0 : index
    %get3A_1 = vector.load %arg1[%get3A, %get3A_0] : memref<1000x128xf32, #tpu.memory_space<vmem>>, vector<1000x128xf32>
    %get3A_2 = arith.constant 0 : index
    %get3A_3 = arith.constant 0 : index
    %get3A_4 = vector.load %arg2[%get3A_2, %get3A_3] : memref<128x128xf32, #tpu.memory_space<vmem>>, vector<128x128xf32>
    %dot_general3A = arith.constant dense<0.000000e+00> : vector<1000x128xf32>
    %dot_general3A_5 = tpu.matmul %get3A_1, %get3A_4, %dot_general3A {dimension_numbers = #tpu.dot_dimension_numbers<[1], [0], [0], [1], [0, 0, 1, 1], [], []>, transpose_lhs_hint = false} : vector<1000x128xf32>, vector<128x128xf32>, vector<1000x128xf32> -> vector<1000x128xf32>
    %swap3A = arith.constant 0 : index
    %swap3A_6 = arith.constant 0 : index
    %swap3A_7 = vector.load %arg3[%swap3A, %swap3A_6] : memref<1000x128xf32, #tpu.memory_space<vmem>>, vector<1000x128xf32>
    tpu.vector_store %arg3[%swap3A, %swap3A_6], %dot_general3A_5 {strides = array<i32>} : memref<1000x128xf32, #tpu.memory_space<vmem>>, vector<1000x128xf32>,
    return
  }
  func.func @transform_0(%arg0: i32) -> (i32, i32) {
    %c0_i32 = arith.constant 0 : i32
    %c0_i32_0 = arith.constant 0 : i32
    return %arg0, %c0_i32 : i32, i32
  }
  func.func @transform_1(%arg0: i32) -> (i32, i32) {
    %c0_i32 = arith.constant 0 : i32
    %c0_i32_0 = arith.constant 0 : i32
    %c0_i32_1 = arith.constant 0 : i32
    return %c0_i32, %c0_i32_0 : i32, i32
  }
  func.func @transform_2(%arg0: i32) -> (i32, i32) {
    %c0_i32 = arith.constant 0 : i32
    %c0_i32_0 = arith.constant 0 : i32
    return %arg0, %c0_i32 : i32, i32
  }
}

module attributes {stable_mosaic.version = 14 : i64} {
  func.func @_combine_body(%arg0: i32, %arg1: memref<2x1000x128xf32, #tpu.memory_space<vmem>>, %arg2: memref<1000x128xf32, #tpu.memory_space<vmem>>) attributes {dimension_semantics = [#tpu.dimension_semantics<arbitrary>], iteration_bounds = array<i64: 10>, scalar_prefetch = 0 : i64, scratch_operands = 0 : i64, tpu.core_type = #tpu.core_type<tc>, window_params = [{transform_indices = @transform_0, window_bounds = array<i64: 2, 1000, 128>}, {transform_indices = @transform_1, window_bounds = array<i64: 1000, 128>}]} {
    %get3A = arith.constant 0 : index
    %get3A_0 = arith.constant 0 : index
    %get3A_1 = arith.constant 0 : index
    %get3A_2 = vector.load %arg1[%get3A, %get3A_0, %get3A_1] : memref<2x1000x128xf32, #tpu.memory_space<vmem>>, vector<1x1000x128xf32>
    %get3A_3 = vector.shape_cast %get3A_2 : vector<1x1000x128xf32> to vector<1000x128xf32>
    %get3A_4 = arith.constant 1 : index
    %get3A_5 = arith.constant 0 : index
    %get3A_6 = arith.constant 0 : index
    %get3A_7 = vector.load %arg1[%get3A_4, %get3A_5, %get3A_6] : memref<2x1000x128xf32, #tpu.memory_space<vmem>>, vector<1x1000x128xf32>
    %get3A_8 = vector.shape_cast %get3A_7 : vector<1x1000x128xf32> to vector<1000x128xf32>
    %add3A = arith.addf %get3A_3, %get3A_8 : vector<1000x128xf32>
    %max3A = arith.constant 0.000000e+00 : f32
    %max3A_9 = vector.broadcast %max3A : f32 to vector<1000x128xf32>
    %max3A_10 = arith.maximumf %add3A, %max3A_9 : vector<1000x128xf32>
    %swap3A = arith.constant 0 : index
    %swap3A_11 = arith.constant 0 : index
    %swap3A_12 = vector.load %arg2[%swap3A, %swap3A_11] : memref<1000x128xf32, #tpu.memory_space<vmem>>, vector<1000x128xf32>
    tpu.vector_store %arg2[%swap3A, %swap3A_11], %max3A_10 {strides = array<i32>} : memref<1000x128xf32, #tpu.memory_space<vmem>>, vector<1000x128xf32>,
    return
  }
  func.func @transform_0(%arg0: i32) -> (i32, i32, i32) {
    %c0_i32 = arith.constant 0 : i32
    %c0_i32_0 = arith.constant 0 : i32
    %c0_i32_1 = arith.constant 0 : i32
    return %c0_i32, %arg0, %c0_i32_0 : i32, i32, i32
  }
  func.func @transform_1(%arg0: i32) -> (i32, i32) {
    %c0_i32 = arith.constant 0 : i32
    %c0_i32_0 = arith.constant 0 : i32
    return %arg0, %c0_i32 : i32, i32
  }
}

</mosaic_0001>

<sc_bundles>
// kernel: kernel.5.cloned.1.call-start
scs
__scs_entry_jumppad:
0x0: {  	(pc) =	sbr.rel $0x88, $3  }
0x1: {  	(tag) =	ssettag $0x0;
	lr =	simm.s32 $0x1  }
0x2: {  	[smem:$0x3F9E] =	sst lr;
	_ =	strace $0xD0000000  }
0x3: {  	_ = 	snop  }
0x4: {  	_ = 	snop  }
0x5: {  	_ = 	snop  }
0x6: {  	_ = 	snop  }
0x7: {  	_ = 	snop  }
__scs_overlays_trampoline_lowered:
0x8: {  	[smem:$0x3FAD] =	sst s0  }
0x9: {  	[smem:$0x3FAE] =	sst s1  }
0xa: {  	[smem:$0x3FAF] =	sst s2  }
0xb: {  	[smem:$0x3FB0] =	sst s3  }
0xc: {  	[smem:$0x3FB1] =	sst s4  }
0xd: {  	[smem:$0x3FB2] =	sst s5  }
0xe: {  	[smem:$0x3FB3] =	sst s6  }
0xf: {  	[smem:$0x3FB4] =	sst s7  }
0x10: {  	[smem:$0x3FB5] =	sst s8  }
0x11: {  	[smem:$0x3FB6] =	sst s9;
	s0 =	simm.s32 @!p0 $0x0  }
0x12: {  	s1 =	sld [smem:$0x3F9C];
	s0 =	simm.s32 @p0 $0x1  }
0x13: {  	[smem:$0x3FB7] =	sst s0;
	s0 =	simm.s32 @!p1 $0x0  }
0x14: {  	s2 =	sld [smem:$0x3F9B];
	s0 =	simm.s32 @p1 $0x1  }
0x15: {  	[smem:$0x3FB8] =	sst s0;
	s0 =	simm.s32 @!p2 $0x0  }
0x16: {  	s3 =	sld [smem:$0x3FDB];
	s0 =	simm.s32 @p2 $0x1  }
0x17: {  	s4 =	simm.s32 $0x1BF5;
	[smem:$0x3FBA] =	sst s0  }
0x18: {  	s0 =	sld [smem:$0x3F9D];
	_ =	swait.ge [sflag:s4], $0x0  }
0x19: {  	s7 =	sld [smem:$0x3F9E]  }
0x1a: {  	s8 =	sadd.s32 $0xFFFFE003, lr  }
0x1b: {  	s9 =	sadd.s32 $0xFFFFFEF7, lr;
	s5 =	simm.s32 $0xFFFFFFFF;
	p2 =	slt.u32 s8, $0xFFFFF086  }
0x1c: {  	p1 =	slt.u32 s9, $0xF7A;
	s5 =	simm.s32 @!p2 $0x0  }
0x1d: {  	s5 =	simm.s32 @p1 $0x1;
	p0 =	seq.s32 s7, s2  }
0x1e: {  	s7 =	smul.u32 @!p0 $0xF7A, s2;
	p2 =	seq.s32 @!p0 s5, $0x0  }
0x1f: {  	s9 =	smul.u32 $0xF7A, s1;
	s8 =	simm.s32 @!p0 $0x1BF5;
	p2 =	por !p2, p0  }
0x20: {  	[sflag:s8] =	ssyncset.s32 @!p0 $0xFFFFF086;
	s6 =	sadd.s32 @!p0 s3, s7;
	s7 =	simm.s32 @!p0 $0x108  }
0x21: {  	s3 =	sadd.s32 s3, s9;
	s6 =	sadd.s32 @!p0 $0x88, s6;
	s7 =	simm.s32 @p2 $0x1082  }
0x22: {  	[simem:s7], [sflag:s8] =	dma.local @!p0 [hbm:s6], $0xF7A  }
0x23: {  	s9 =	sor.u32 $0xD0000000, s2;
	s6 =	simm.s32 $0x108;
	_ =	swait.ge @!p0 [sflag:s8], $0x0  }
0x24: {  	s3 =	sadd.s32 $0x88, s3;
	s6 =	simm.s32 @!p1 $0x1082;
	[sflag:s4] =	ssyncset.s32 $0xFFFFF086  }
0x25: {  	[simem:s6], [sflag:s4] =	dma.local [hbm:s3], $0xF7A  }
0x26: {  	[smem:$0x3F9E] =	sst s1;
	(tag) =	ssettag s2;
	_ =	strace s9  }
0x27: {  	s1 =	sld [smem:$0x3FAE]  }
0x28: {  	s2 =	sld [smem:$0x3FAF]  }
0x29: {  	s4 =	sld [smem:$0x3FB1]  }
0x2a: {  	p0 =	seq.s32 s5, $0x0;
	s5 =	sld [smem:$0x3FB2]  }
0x2b: {  	s6 =	sld [smem:$0x3FB3]  }
0x2c: {  	s7 =	sld [smem:$0x3FB4]  }
0x2d: {  	s3 =	simm.s32 $0x108;
	s8 =	sld [smem:$0x3FB5]  }
0x2e: {  	s3 =	simm.s32 @!p0 $0x1082;
	s9 =	sld [smem:$0x3FB6]  }
0x2f: {  	lr =	sadd.s32 s0, s3;
	s0 =	sld [smem:$0x3FAD]  }
0x30: {  	s3 =	sld [smem:$0x3FB0]  }
0x31: {  	[smem:$0x3FB9] =	sst s10  }
0x32: {  	s10 =	sld [smem:$0x3FB7];
	_ =	sdelay $0x3  }
0x33: {  	p0 =	seq.s32 s10, $0x1;
	s10 =	sld [smem:$0x3FB9];
	_ =	sdelay $0x3  }
0x34: {  	[smem:$0x3FB9] =	sst s10  }
0x35: {  	s10 =	sld [smem:$0x3FB8];
	_ =	sdelay $0x3  }
0x36: {  	p1 =	seq.s32 s10, $0x1;
	s10 =	sld [smem:$0x3FB9];
	_ =	sdelay $0x3  }
0x37: {  	[smem:$0x3FB9] =	sst s10  }
0x38: {  	s10 =	sld [smem:$0x3FBA]  }
0x39: {  	_ = 	snop;
	(pc) =	sbr.ind lr, $3  }
0x3a: {  	_ = 	snop  }
0x3b: {  	_ = 	snop  }
0x3c: {  	p2 =	seq.s32 s10, $0x1;
	s10 =	sld [smem:$0x3FB9]  }
0x3d: {  	_ =	shalt  }
0x3e: {  	_ =	shalt  }
0x3f: {  	_ =	shalt  }
0x40: {  	_ =	shalt  }
0x41: {  	_ =	shalt  }
0x42: {  	_ =	shalt  }
0x43: {  	_ =	shalt  }
0x44: {  	_ =	shalt  }
0x45: {  	_ =	shalt  }
0x46: {  	_ =	shalt  }
0x47: {  	_ =	shalt  }
0x48: {  	_ =	shalt  }
0x49: {  	_ =	shalt  }
0x4a: {  	_ =	shalt  }
0x4b: {  	_ =	shalt  }
0x4c: {  	_ =	shalt  }
0x4d: {  	_ =	shalt  }
0x4e: {  	_ =	shalt  }
0x4f: {  	_ =	shalt  }
0x50: {  	_ =	shalt  }
0x51: {  	_ =	shalt  }
0x52: {  	_ =	shalt  }
0x53: {  	_ =	shalt  }
0x54: {  	_ =	shalt  }
0x55: {  	_ =	shalt  }
0x56: {  	_ =	shalt  }
0x57: {  	_ =	shalt  }
0x58: {  	_ =	shalt  }
0x59: {  	_ =	shalt  }
0x5a: {  	_ =	shalt  }
0x5b: {  	_ =	shalt  }
0x5c: {  	_ =	shalt  }
0x5d: {  	_ =	shalt  }
0x5e: {  	_ =	shalt  }
0x5f: {  	_ =	shalt  }
0x60: {  	_ =	shalt  }
0x61: {  	_ =	shalt  }
0x62: {  	_ =	shalt  }
0x63: {  	_ =	shalt  }
0x64: {  	_ =	shalt  }
0x65: {  	_ =	shalt  }
0x66: {  	_ =	shalt  }
0x67: {  	_ =	shalt  }
0x68: {  	_ =	shalt  }
0x69: {  	_ =	shalt  }
0x6a: {  	_ =	shalt  }
0x6b: {  	_ =	shalt  }
0x6c: {  	_ =	shalt  }
0x6d: {  	_ =	shalt  }
0x6e: {  	_ =	shalt  }
0x6f: {  	_ =	shalt  }
0x70: {  	_ =	shalt  }
0x71: {  	_ =	shalt  }
0x72: {  	_ =	shalt  }
0x73: {  	_ =	shalt  }
0x74: {  	_ =	shalt  }
0x75: {  	_ =	shalt  }
0x76: {  	_ =	shalt  }
0x77: {  	_ =	shalt  }
0x78: {  	_ =	shalt  }
0x79: {  	_ =	shalt  }
0x7a: {  	_ =	shalt  }
0x7b: {  	_ =	shalt  }
0x7c: {  	_ =	shalt  }
0x7d: {  	_ =	shalt  }
0x7e: {  	_ =	shalt  }
0x7f: {  	_ =	shalt  }
0x80: {  	_ =	shalt  }
0x81: {  	_ =	shalt  }
0x82: {  	_ =	shalt  }
0x83: {  	_ =	shalt  }
0x84: {  	_ =	shalt  }
0x85: {  	_ =	shalt  }
0x86: {  	_ =	shalt  }
0x87: {  	_ =	shalt  }
.Lfunc_end0:
.L_simem_size_0:
called_computation_lowered:
.L_overlay_start_0:
0x88: {  	s2 =	sld [smem:$0x3FD9]  }
0x89: {  	s3 =	sld [smem:$0x3FFE];
	_ =	sdelay $0x1  }
0x8a: {  	s1 =	srdreg.scid  }
0x8b: {  	s0 =	sand.u32 $0x1, s1  }
0x8c: {  	s17 =	sshll.u32 s0, $0xA;
	s2 =	sadd.s32 s3, s2  }
0x8d: {  	s2 =	sadd.s32 s2, s17  }
0x8e: {  	[smem:$0x3FC5] =	sst s2  }
0x8f: {  	_ = 	snop  }
0x90: {  	s2 =	sld [smem:$0x3FD0];
	(tm) =	ssettm $0x1  }
0x91: {  	s18 =	sld [smem:$0x3FFB];
	_ =	sdelay $0x3  }
0x92: {  	_ =	strace s18  }
0x93: {  	s3 =	sld [smem:$0x3FFC];
	_ =	sdelay $0x3  }
0x94: {  	_ =	strace s3  }
0x95: {  	s3 =	sld [smem:$0x3FFD];
	_ =	sdelay $0x3  }
0x96: {  	_ =	strace s3  }
0x97: {  	_ =	strace $0x8FFFFFFF  }
0x98: {  	s19 =	sld [smem:$0x3FDB];
	_ =	sdelay $0x1  }
0x99: {  	s4 =	simm.s32 $_scs_section_size  }
0x9a: {  	s5 =	simm.s32 $_size__tile_overlayer_lowered;
	s6 =	simm.s32 $_tile_overlayer_lowered  }
0x9b: {  	s22 =	simm.s32 $0x1BFF;
	s21 =	sshll.u32 s6, $0x1;
	s3 =	sadd.s32 s4, s19  }
0x9c: {  	s7 =	simm.s32 $0x0;
	s20 =	sshll.u32 s5, $0x1;
	s5 =	sadd.s32 s21, s3  }
0x9d: {  	[timem:s7], [sflag:s22] =	dma.local [hbm:s5], s20  }
0x9e: {  	_ =	swait.ge [sflag:s22], s20  }
0x9f: {  	s4 =	ssub.s32 $0x0, s20;
	[sflag:s22] =	ssyncset.done $0x0  }
0xa0: {  	[sflag:s22] =	ssyncadd.s32 s4;
	_ =	sdelay $0x1  }
0xa1: {  	s23 =	simm.s32 $0x1B8B  }
0xa2: {  	_ =	swait.ge [sflag:s23], $0x1  }
0xa3: {  	[sflag:s23] =	ssyncset.done $0x0  }
0xa4: {  	s25 =	simm.s32 $0x1B8E;
	s24 =	sld [smem:$0x3FFE];
	[sflag:s23] =	ssyncadd.s32 $0xFFFFFFFF  }
0xa5: {  	s26 =	simm.s32 $execute0_lowered;
	[smem:$0x3FD2] =	sst s25  }
0xa6: {  	s5 =	sshll.u32 s26, $0x1;
	_ =	strace $0x80000046;
	[dreg:$0x1] =	wrdreg $0xFFFFFFFF  }
0xa7: {  	s28 =	simm.s32 $_size_execute0_lowered;
	s3 =	sadd.s32 s3, s5;
	[dreg:$0x0] =	wrdreg $0x0  }
0xa8: {  	s5 =	sshll.u32 s28, $0x1;
	[dreg:$0x2] =	wrdreg s3  }
0xa9: {  	[dreg:$0x3] =	wrdreg s5  }
0xaa: {  	[dreg:$0x4] =	wrdreg $0xC0  }
0xab: {  	_ =	task [dreg:s7], $0x5FFFF  }
0xac: {  	[dreg:$0x1] =	wrdreg $0xFFFFFFFF  }
0xad: {  	[dreg:$0x0] =	wrdreg $0x60  }
0xae: {  	[dreg:$0x2] =	wrdreg s24  }
0xaf: {  	[dreg:$0x3] =	wrdreg s2  }
0xb0: {  	[dreg:$0x4] =	wrdreg $0x9C000  }
0xb1: {  	[dreg:$0x5] =	wrdreg $0x9  }
0xb2: {  	_ =	task.clear_ibuf [dreg:s7], $0x6FFFF;
	_ =	strace $0x90000046  }
0xb3: {  	s29 =	simm.s32 $0x9;
	_ =	strace $0x80000048  }
0xb4: {  	_ =	swait.ge [sflag:s29], $0x1  }
0xb5: {  	[sflag:s29] =	ssyncadd.s32 $0xFFFFFFFF  }
0xb6: {  	_ =	strace $0x90000048  }
0xb7: {  	_ =	sfence  }
0xb8: {  	s30 =	sld [smem:$0x0];
	_ =	sdelay $0x2  }
0xb9: {  	s31 =	sshll.u32 s1, $0xD;
	s1 =	sshrl.u32 s1, $0x2  }
0xba: {  	s3 =	sand.u32 $0x4000, s31;
	s1 =	sadd.s32 s1, s30  }
0xbb: {  	s0 =	sor.u32 s3, s0;
	s1 =	sshll.u32 s1, $0x11  }
0xbc: {  	s0 =	sor.u32 s1, s0  }
0xbd: {  	s0 =	sadd.s32 $0x8F2B, s0  }
0xbe: {  	[sflag:s0] =	ssyncadd.remote.s32 $0x1  }
0xbf: {  	_ =	sfence.sel $0xFFFF  }
0xc0: {  	[dreg:$0x0] =	wrdreg $0xFFFFFFFF;
	(pc) =	sbr.abs _section_cstart, $3  }
0xc1: {  	[dreg:$0x1] =	wrdreg $0xFFFFFFFF  }
0xc2: {  	_ =	task.clear_ibuf [dreg:s7], $0x2FFFF;
	_ =	strace $0x9FFFFFFF  }
0xc3: {  	(tm) =	ssettm $0x7FFFFFFF  }
tec
execute0_lowered:
.L_overlay_start_1:
0x0: {  	(tag) =	ssettag $0x1  }
0x1: {  	s7 =	rddreg [dreg:$0x0]  }
0x2: {  	s0 =	srdreg.scid;
	s2 =	rddreg [dreg:$0x1]  }
0x3: {  	s3 =	rddreg [dreg:$0x2];
	s4 =	simm.s32 $0x0;
	s15 =	simm.s32 $0x2  }
0x4: {  	s16 =	simm.s32 $0x80;
	s12 =	sand.u32 $0x1, s0;
	s0 =	stileid.u32  }
0x5: {  	s17 =	simm.s32 $0x1;
	s20 =	simm.s32 $0x0;
	s6 =	smul.u32 $0x2800, s0  }
0x6: {  	[smem:$0x7FF] =	sst s4;
	s1 =	sshll.u32 s12, $0x4;
	s8 =	smul.u32 $0x50000, s0  }
0x7: {  	s9 =	smul.u32 $0x28000, s12;
	s10 =	ssub.s32 $0x2, s12;
	p0 =	seq.s32 s12, $0x1  }
0x8: {  	s18 =	sshll.u32 s0, $0x6;
	s1 =	sor.u32 s0, s1;
	s13 =	sshrl.u32 s10, $0x1  }
0x9: {  	s18 =	sor.u32 $0x1C02, s18;
	s5 =	smul.u32 $0xB80, s1;
	s1 =	rddreg [dreg:$0x3]  }
0xa: {  	_ =	strace $0x80000047;
	s8 =	sshrl.u32 s8, $0x2;
	s9 =	sadd.s32 s6, s9  }
.Ltmp0:
0xb: {  	s13 =	ssub.s32 s10, s13;
	s6 =	sadd.s32 s8, s3;
	(pc) =	sbr.rel .LBB2_1-.Ltmp0, $4  }
0xc: {  	s14 =	sadd.s32 s9, s7;
	s13 =	smax.u32 s13, $0x1;
	s11 =	sadd.s32 s5, s7  }
0xd: {  	s5 =	sadd.s32 $0x17200, s7;
	s7 =	sadd.s32 $0x4000, s6;
	s8 =	sadd.s32 $0x8000, s6  }
0xe: {  	s9 =	sadd.s32 $0xC000, s6;
	s10 =	sadd.s32 $0x10000, s6;
	s12 =	sadd.s32 $0x17A00, s14  }
0xf: {  	s14 =	simm.s32 $0x5C00;
	s19 =	sshrl.u32 s6, $0x3;
	s11 =	sadd.s32 $0x200, s11  }
.LBB2_7:
0x10: {  	s21 =	sshra.s32 s21, $0x2;
	[sflag:s15] =	ssyncadd.s32 $0xFFFFC000  }
0x11: {  	[tilespmem:s14], [sflag:$0x1] =	stream.indirect.gather [hbm4b:s2+s16], $0x80, s21, s16, $0xb8;
	[tilespmem:$0x1DC00] =	vst v63  }
0x12: {  	_ =	swait.ge [sflag:s17], $0x4000  }
0x13: {  	[sflag:s17] =	ssyncset.done $0x0  }
0x14: {  	s21 =	sadd.s32 $0x80, s21;
	[sflag:s17] =	ssyncadd.s32 $0xFFFFC000  }
0x15: {  	[spmem:s3] =	stream.indirect.scatter.add.f32 [tilespmem:s14], [sflag:$0x2], $0x80, s21, s16, $0xb8;
	[tilespmem:$0x1DC00] =	vst v63  }
0x16: {  	_ =	swait.ge [sflag:s15], $0x4000  }
0x17: {  	[sflag:s15] =	ssyncset.done $0x0  }
0x18: {  	[sflag:s15] =	ssyncadd.s32 $0xFFFFC000  }
.LBB2_8:
0x19: {  	s20 =	sadd.s32 $0x1, s20  }
0x1a: {  	p1 =	sne.s32 s20, s13  }
.Ltmp1:
0x1b: {  	[bflag:$0x0] =	sbarrier.arrive $0xFFFF;
	(pc) =	sbr.rel @!p1 .LBB2_9-.Ltmp1, $4  }
0x1c: {  	[hbm:s12], [sflag:s18] =	dma.local [spmem:s19], $0x2800  }
0x1d: {  	_ =	swait.ge [sflag:s15], $0x2800  }
0x1e: {  	[sflag:s15] =	ssyncset.done $0x0  }
0x1f: {  	[sflag:s15] =	ssyncadd.s32 $0xFFFFD800  }
.LBB2_1:
0x20: {  	[tilespmem:s14], [sflag:$0x2] =	stream.linear.gather [hbm4b:s5+s4], $0x4000, $0x38;
	[tilespmem:$0x1DC00] =	vst v63  }
0x21: {  	_ =	swait.ge [sflag:s15], $0x4000  }
0x22: {  	[sflag:s15] =	ssyncset.done $0x0  }
0x23: {  	[sflag:s15] =	ssyncadd.s32 $0xFFFFC000  }
0x24: {  	[spmem:s6] =	stream.linear.scatter [tilespmem:s14], [sflag:$0x2], $0x4000, $0x38;
	[tilespmem:$0x1DC00] =	vst v63  }
0x25: {  	_ =	swait.ge [sflag:s15], $0x4000  }
0x26: {  	[sflag:s15] =	ssyncset.done $0x0  }
0x27: {  	[sflag:s15] =	ssyncadd.s32 $0xFFFFC000  }
0x28: {  	[spmem:s7] =	stream.linear.scatter [tilespmem:s14], [sflag:$0x2], $0x4000, $0x38;
	[tilespmem:$0x1DC00] =	vst v63  }
0x29: {  	_ =	swait.ge [sflag:s15], $0x4000  }
0x2a: {  	[sflag:s15] =	ssyncset.done $0x0  }
0x2b: {  	[sflag:s15] =	ssyncadd.s32 $0xFFFFC000  }
0x2c: {  	[spmem:s8] =	stream.linear.scatter [tilespmem:s14], [sflag:$0x2], $0x4000, $0x38;
	[tilespmem:$0x1DC00] =	vst v63  }
0x2d: {  	_ =	swait.ge [sflag:s15], $0x4000  }
0x2e: {  	[sflag:s15] =	ssyncset.done $0x0  }
0x2f: {  	[sflag:s15] =	ssyncadd.s32 $0xFFFFC000  }
0x30: {  	[spmem:s9] =	stream.linear.scatter [tilespmem:s14], [sflag:$0x2], $0x4000, $0x38;
	[tilespmem:$0x1DC00] =	vst v63  }
0x31: {  	_ =	swait.ge [sflag:s15], $0x4000  }
0x32: {  	[sflag:s15] =	ssyncset.done $0x0  }
0x33: {  	[sflag:s15] =	ssyncadd.s32 $0xFFFFC000  }
0x34: {  	[spmem:s10] =	stream.linear.scatter [tilespmem:s14], [sflag:$0x2], $0x4000, $0x38;
	[tilespmem:$0x1DC00] =	vst v63  }
0x35: {  	_ =	swait.ge [sflag:s15], $0x4000  }
0x36: {  	[sflag:s15] =	ssyncset.done $0x0  }
0x37: {  	[sflag:s15] =	ssyncadd.s32 $0xFFFFC000  }
0x38: {  	[tilespmem:s4], [sflag:$0x2] =	stream.linear.gather [hbm4b:s11+s4], $0x5C00, $0x38;
	[tilespmem:$0x1DC00] =	vst v63  }
.Ltmp2:
0x39: {  	_ =	swait.ge [sflag:s15], $0x5C00;
	(pc) =	sbr.rel @!p0 .LBB2_2-.Ltmp2, $4  }
0x3a: {  	[sflag:s15] =	ssyncset.done $0x0  }
0x3b: {  	[sflag:s15] =	ssyncadd.s32 $0xFFFFA400  }
0x3c: {  	[bflag:$0x0] =	sbarrier.arrive $0xFFFF  }
0x3d: {  	s21 =	simm.s32 $0x0  }
0x3e: {  	[tilespmem:s14], [sflag:$0x1] =	stream.indirect.gather [hbm4b:s2+s16], $0x80, s21, s16, $0xb8;
	[tilespmem:$0x1DC00] =	vst v63  }
0x3f: {  	_ =	swait.ge [sflag:s17], $0x4000  }
0x40: {  	[sflag:s17] =	ssyncset.done $0x0  }
0x41: {  	s31 =	simm.s32 $0x80;
	[sflag:s17] =	ssyncadd.s32 $0xFFFFC000  }
0x42: {  	[spmem:s3] =	stream.indirect.scatter.add.f32 [tilespmem:s14], [sflag:$0x2], $0x80, s31, s16, $0xb8;
	[tilespmem:$0x1DC00] =	vst v63  }
0x43: {  	_ =	swait.ge [sflag:s15], $0x4000  }
0x44: {  	s21 =	simm.s32 $0x400;
	s22 =	simm.s32 $0x800;
	[sflag:s15] =	ssyncset.done $0x0  }
.LBB2_6:
0x45: {  	s23 =	sshra.s32 s21, $0x2  }
0x46: {  	[sflag:s15] =	ssyncadd.s32 $0xFFFFC000;
	s21 =	smov.u32 s22;
	s24 =	sadd.s32 $0x400, s22  }
0x47: {  	[tilespmem:s14], [sflag:$0x1] =	stream.indirect.gather [hbm4b:s2+s16], $0x80, s23, s16, $0xb8;
	[tilespmem:$0x1DC00] =	vst v63  }
0x48: {  	p1 =	sne.s32 s22, $0x10000;
	_ =	swait.ge [sflag:s17], $0x4000  }
.Ltmp3:
0x49: {  	[sflag:s17] =	ssyncset.done $0x0;
	(pc) =	sbr.rel @p1 .LBB2_6-.Ltmp3, $4  }
0x4a: {  	s22 =	sadd.s32 $0x80, s23;
	[sflag:s17] =	ssyncadd.s32 $0xFFFFC000  }
0x4b: {  	[spmem:s3] =	stream.indirect.scatter.add.f32 [tilespmem:s14], [sflag:$0x2], $0x80, s22, s16, $0xb8;
	[tilespmem:$0x1DC00] =	vst v63  }
0x4c: {  	_ =	swait.ge [sflag:s15], $0x4000  }
0x4d: {  	s22 =	smov.u32 s24;
	[sflag:s15] =	ssyncset.done $0x0  }
.Ltmp4:
0x4e: {  	_ = 	snop;
	(pc) =	sbr.rel .LBB2_7-.Ltmp4, $1  }
0x4f: {  	_ =	sdelay $0x3  }
.LBB2_2:
0x50: {  	[tilespmem:s14], [sflag:$0x1] =	stream.indirect.gather [hbm4b:s2+s16], $0x80, s21, s16, $0xb8;
	[tilespmem:$0x1DC00] =	vst v63  }
0x51: {  	_ =	swait.ge [sflag:s17], $0x4000  }
0x52: {  	[sflag:s17] =	ssyncset.done $0x0  }
0x53: {  	s31 =	simm.s32 $0x80;
	[sflag:s17] =	ssyncadd.s32 $0xFFFFC000  }
0x54: {  	[spmem:s3] =	stream.indirect.scatter.add.f32 [tilespmem:s14], [sflag:$0x2], $0x80, s31, s16, $0xb8;
	[tilespmem:$0x1DC00] =	vst v63  }
0x55: {  	_ =	swait.ge [sflag:s15], $0x4000  }
0x56: {  	s21 =	simm.s32 $0x400;
	s22 =	simm.s32 $0x800;
	[sflag:s15] =	ssyncset.done $0x0  }
.LBB2_3:
0x57: {  	s23 =	sshra.s32 s21, $0x2  }
0x58: {  	[sflag:s15] =	ssyncadd.s32 $0xFFFFC000;
	s21 =	smov.u32 s22;
	s24 =	sadd.s32 $0x400, s22  }
0x59: {  	[tilespmem:s14], [sflag:$0x1] =	stream.indirect.gather [hbm4b:s2+s16], $0x80, s23, s16, $0xb8;
	[tilespmem:$0x1DC00] =	vst v63  }
0x5a: {  	p1 =	seq.s32 s22, $0x16C00;
	_ =	swait.ge [sflag:s17], $0x4000  }
.Ltmp5:
0x5b: {  	[sflag:s17] =	ssyncset.done $0x0;
	(pc) =	sbr.rel @!p1 .LBB2_3-.Ltmp5, $4  }
0x5c: {  	s22 =	sadd.s32 $0x80, s23;
	[sflag:s17] =	ssyncadd.s32 $0xFFFFC000  }
0x5d: {  	[spmem:s3] =	stream.indirect.scatter.add.f32 [tilespmem:s14], [sflag:$0x2], $0x80, s22, s16, $0xb8;
	[tilespmem:$0x1DC00] =	vst v63  }
0x5e: {  	_ =	swait.ge [sflag:s15], $0x4000  }
0x5f: {  	s22 =	smov.u32 s24;
	[sflag:s15] =	ssyncset.done $0x0  }
0x60: {  	s21 =	sshra.s32 s21, $0x2;
	[sflag:s15] =	ssyncadd.s32 $0xFFFFC000  }
0x61: {  	[tilespmem:s14], [sflag:$0x1] =	stream.indirect.gather [hbm4b:s2+s16], $0x80, s21, s16, $0xb8;
	[tilespmem:$0x1DC00] =	vst v63  }
0x62: {  	_ =	swait.ge [sflag:s17], $0x4000  }
0x63: {  	[sflag:s17] =	ssyncset.done $0x0  }
.Ltmp6:
0x64: {  	s21 =	sadd.s32 $0x80, s21;
	[sflag:s17] =	ssyncadd.s32 $0xFFFFC000;
	(pc) =	sbr.rel .LBB2_8-.Ltmp6, $4  }
0x65: {  	[spmem:s3] =	stream.indirect.scatter.add.f32 [tilespmem:s14], [sflag:$0x2], $0x80, s21, s16, $0xb8;
	[tilespmem:$0x1DC00] =	vst v63  }
0x66: {  	_ =	swait.ge [sflag:s15], $0x4000  }
0x67: {  	[sflag:s15] =	ssyncset.done $0x0  }
0x68: {  	[sflag:s15] =	ssyncadd.s32 $0xFFFFC000  }
.LBB2_9:
0x69: {  	_ =	sfence.sel $0x180000  }
0x6a: {  	[bflag:$0x0] =	sbarrier.arrive $0xFFFF  }
0x6b: {  	p0 =	sne.s32 s0, $0x0;
	_ =	strace $0x90000047  }
0x6c: {  	s0 =	sadd.s32 @!p0 $0x100000, s1;
	[bflag:$0x2] =	sbarrier.arrive $0xFFFF  }
0x6d: {  	[sflag:s0] =	ssyncadd.tile.s32 @!p0 $0x1;
	_ =	shalt  }
.Lfunc_end2:
_tile_overlayer_lowered:
.L_overlay_start_2:
0x6e: {  	(tag) =	ssettag $0x2  }
0x6f: {  	s0 =	rddreg [dreg:$0x0];
	s2 =	stileid.u32  }
0x70: {  	s1 =	rddreg [dreg:$0x1];
	p0 =	sne.s32 s2, $0x0  }
0x71: {  	s3 =	rddreg [dreg:$0x2];
	[bflag:$0x3] =	sbarrier.arrive $0xFFFF;
	s2 =	simm.s32 @!p0 $0x1C02  }
0x72: {  	[timem:s3], [sflag:s2] =	dma.local @!p0 [hbm:s0], s1  }
0x73: {  	s0 =	simm.s32 @!p0 $0x2  }
0x74: {  	_ =	swait.ge @!p0 [sflag:s0], s1  }
0x75: {  	s1 =	ssub.s32 @!p0 $0x0, s1;
	[sflag:s0] =	ssyncset.done @!p0 $0x0  }
0x76: {  	[sflag:s0] =	ssyncadd.s32 @!p0 s1  }
0x77: {  	[bflag:$0x3] =	sbarrier.arrive $0xFFFF  }
0x78: {  	_ =	shalt  }

</sc_bundles>
